<compile_context>
chip_gen: v7x
topology: tpu7x:2x2x1
jax: 0.10.2.dev20260603
libtpu: 0.0.44.dev20260713+nightly
codegen_flags: <defaults>
</compile_context>

<pallas_src>
import functools

import jax
import jax.numpy as jnp
from jax import lax
from jax.experimental import pallas as pl
from jax.experimental.pallas import tpu as pltpu
from jax.experimental.pallas import tpu_sc as plsc

K = 8192
D = 256
N = 8192
TT = 256
CK = 4096
NTILES = N // TT
NCHUNK = K // CK
COMMITMENT = 0.25

NC = 2
NS = 16
NW = NC * NS
RPW = N // NW
HALF = RPW // 2


STRIPS = (0, 4096, 8192)
NSTRIP = len(STRIPS) - 1


def _argmin_kernel(x_ref, w_ref, idx_ref, enc_ref, loss_ref, perp_ref,
                   acc_ref, hist_ref, bsum_ref):
    t = pl.program_id(0)
    x = x_ref[...]
    s = jnp.sum(x * x, axis=1, keepdims=True)
    x2 = 2.0 * x

    @pl.when(t == 0)
    def _():
        for j in range(NCHUNK):
            w = w_ref[j * CK:(j + 1) * CK, :]
            bsum_ref[0, j * CK:(j + 1) * CK] = jnp.sum(w * w, axis=1)

    smin = [jnp.full((TT, 1), jnp.inf, jnp.float32) for _ in range(NSTRIP)]
    sidx = [jnp.zeros((TT, 1), jnp.int32) for _ in range(NSTRIP)]
    for j in range(NCHUNK):
        a_col = j * CK
        w = w_ref[j * CK:(j + 1) * CK, :]
        b = bsum_ref[0, j * CK:(j + 1) * CK]
        c2 = lax.dot_general(x2, w, (((1,), (1,)), ((), ())),
                             preferred_element_type=jnp.float32)
        d = (s + b[None, :]) - c2
        k = a_col // STRIPS[1]
        cols = lax.broadcasted_iota(jnp.int32, (TT, CK), 1)
        lmin = jnp.min(d, axis=1, keepdims=True)
        lidx = jnp.min(jnp.where(d == lmin, cols, K),
                       axis=1, keepdims=True) + a_col
        better = lmin < smin[k]
        smin[k] = jnp.where(better, lmin, smin[k])
        sidx[k] = jnp.where(better, lidx, sidx[k])

    accv = smin[0].astype(jnp.bfloat16).astype(jnp.float32)
    acci = sidx[0]
    dsel = smin[0]
    for k in range(1, NSTRIP):
        upd = (smin[k] < accv) | ((smin[k] == accv) & (sidx[k] < acci))
        acci = jnp.where(upd, sidx[k], acci)
        dsel = jnp.where(upd, smin[k], dsel)
        accv = jnp.where(upd, smin[k], accv).astype(jnp.bfloat16).astype(jnp.float32)
    gidx = acci
    gmin = dsel

    idx_ref[0, :, :] = gidx

    cols_full = lax.broadcasted_iota(jnp.int32, (TT, K), 1)
    enc = jnp.where(cols_full == gidx, 1.0, 0.0).astype(jnp.float32)
    enc_ref[...] = enc

    partial_hist = jnp.sum(enc, axis=0, keepdims=True)
    partial_acc = jnp.sum(gmin, axis=0, keepdims=True)

    @pl.when(t == 0)
    def _():
        hist_ref[...] = partial_hist
        acc_ref[...] = partial_acc

    @pl.when(t > 0)
    def _():
        hist_ref[...] = hist_ref[...] + partial_hist
        acc_ref[...] = acc_ref[...] + partial_acc

    @pl.when(t == NTILES - 1)
    def _():
        m = acc_ref[...] * (1.0 / (N * D))
        loss_ref[...] = m + COMMITMENT * m
        avg = hist_ref[...] * (1.0 / N)
        ent = jnp.sum(avg * jnp.log(avg + 1e-10), axis=1, keepdims=True)
        perp_ref[...] = jnp.exp(-ent)


_argmin_call = pl.pallas_call(
    _argmin_kernel,
    grid=(NTILES,),
    in_specs=[
        pl.BlockSpec((TT, D), lambda t: (t, 0)),
        pl.BlockSpec((K, D), lambda t: (0, 0)),
    ],
    out_specs=[
        pl.BlockSpec((1, TT, 1), lambda t: (t, 0, 0)),
        pl.BlockSpec((TT, K), lambda t: (t, 0)),
        pl.BlockSpec((1, 1), lambda t: (0, 0)),
        pl.BlockSpec((1, 1), lambda t: (0, 0)),
    ],
    out_shape=[
        jax.ShapeDtypeStruct((NTILES, TT, 1), jnp.int32),
        jax.ShapeDtypeStruct((N, K), jnp.float32),
        jax.ShapeDtypeStruct((1, 1), jnp.float32),
        jax.ShapeDtypeStruct((1, 1), jnp.float32),
    ],
    scratch_shapes=[
        pltpu.VMEM((1, 1), jnp.float32),
        pltpu.VMEM((1, K), jnp.float32),
        pltpu.VMEM((1, K), jnp.float32),
    ],
    compiler_params=pltpu.CompilerParams(
        dimension_semantics=("arbitrary",),
    ),
)


@functools.cache
def _sc_gather_call():
    mesh = plsc.VectorSubcoreMesh(
        core_axis_name="c", subcore_axis_name="s", num_cores=NC)

    @functools.partial(
        pl.kernel,
        mesh=mesh,
        out_type=jax.ShapeDtypeStruct((N, D), jnp.float32),
        scratch_types=[
            pltpu.VMEM((HALF,), jnp.int32),
            pltpu.VMEM((HALF, D), jnp.float32),
            pltpu.SemaphoreType.DMA,
        ],
    )
    def _sc_gather(idx_hbm, w_hbm, out_hbm, idx_v, rows_v, sem):
        wid = lax.axis_index("s") * NC + lax.axis_index("c")
        base = wid * RPW
        for half in range(RPW // HALF):
            hb = base + half * HALF
            pltpu.sync_copy(idx_hbm.at[pl.ds(hb, HALF)], idx_v)
            pltpu.async_copy(w_hbm.at[idx_v], rows_v, sem).wait()
            pltpu.sync_copy(rows_v, out_hbm.at[pl.ds(hb, HALF), :])

    return _sc_gather


def _st_kernel(x_ref, q_ref, o_ref):
    x = x_ref[...]
    q = q_ref[...]
    o_ref[...] = x + (q - x)


_st_call = pl.pallas_call(
    _st_kernel,
    grid=(NTILES,),
    in_specs=[
        pl.BlockSpec((TT, D), lambda t: (t, 0)),
        pl.BlockSpec((TT, D), lambda t: (t, 0)),
    ],
    out_specs=pl.BlockSpec((TT, D), lambda t: (t, 0)),
    out_shape=jax.ShapeDtypeStruct((N, D), jnp.float32),
)


def kernel(data, weight):
    input_shape = data.shape
    x = data.reshape(N, D)
    idx3, enc, loss, perp = _argmin_call(x, weight)
    idx = idx3.reshape(N)
    q = _sc_gather_call()(idx, weight)
    qst = _st_call(x, q)
    return (qst.reshape(input_shape),
            enc.reshape(tuple(input_shape[:-1]) + (K,)),
            loss[0, 0],
            perp[0, 0])

# --- scband reference (transcript-rebuilt; emitter-appended) ---
"""Pipeline reference for scband-vector-quantizer-54056458387889 (READ-ONLY COPY).

The authoritative reference and input builder live on the scoring server;
editing this copy changes nothing except your own understanding.
"""

import jax, jax.numpy as jnp
import numpy as np

NUM_EMBEDDINGS = 8192
EMBEDDING_DIM = 256
COMMITMENT_COST = 0.25


def setup_inputs(seed: int = 0) -> dict:
    key = jax.random.key(seed)
    k1, k2 = jax.random.split(key)
    data = jax.random.normal(k1, (8, 1024, EMBEDDING_DIM), dtype=jnp.float32)
    # nn.Embedding weight initialized uniform(-1/K, 1/K)
    weight = jax.random.uniform(
        k2, (NUM_EMBEDDINGS, EMBEDDING_DIM), dtype=jnp.float32,
        minval=-1.0 / NUM_EMBEDDINGS, maxval=1.0 / NUM_EMBEDDINGS)
    return {"data": data, "weight": weight}


def reference(data, weight):
    input_shape = data.shape
    flat_input = data.reshape(-1, EMBEDDING_DIM)
    distances = (jnp.sum(flat_input ** 2, axis=1, keepdims=True)
                 + jnp.sum(weight ** 2, axis=1)
                 - 2.0 * jnp.matmul(flat_input, weight.T))
    encoding_indices = jnp.argmin(distances, axis=1)
    encodings = jax.nn.one_hot(encoding_indices, NUM_EMBEDDINGS, dtype=jnp.float32)
    quantized = jnp.matmul(encodings, weight).reshape(input_shape)
    q_latent_loss = jnp.mean((quantized - jax.lax.stop_gradient(data)) ** 2)
    e_latent_loss = jnp.mean((jax.lax.stop_gradient(quantized) - data) ** 2)
    loss = q_latent_loss + COMMITMENT_COST * e_latent_loss
    quantized_st = data + jax.lax.stop_gradient(quantized - data)
    avg_probs = jnp.mean(encodings, axis=0)
    perplexity = jnp.exp(-jnp.sum(avg_probs * jnp.log(avg_probs + 1e-10)))
    encodings_out = encodings.reshape(tuple(input_shape[:-1]) + (NUM_EMBEDDINGS,))
    return (quantized_st, encodings_out, loss, perplexity)

if __name__ == "__main__":
    import jax
    _d = setup_inputs()
    print(jax.jit(kernel)(*tuple(_d.values())))

</pallas_src>

<mosaic_0001>
#map = affine_map<(d0, d1) -> (0)>
#map1 = affine_map<(d0, d1) -> (0, 0)>
module attributes {stable_mosaic.version = 14 : i64} {
  func.func @_sc_gather(%arg0: i32, %arg1: i32, %arg2: memref<8192xi32, #tpu.memory_space<hbm>>, %arg3: memref<8192x256xf32, #tpu.memory_space<hbm>>, %arg4: memref<8192x256xf32, #tpu.memory_space<hbm>>, %arg5: memref<128xi32, #tpu.memory_space<vmem>>, %arg6: memref<128x256xf32, #tpu.memory_space<vmem>>, %arg7: memref<!tpu.dma_semaphore, #tpu.memory_space<semaphore_mem>>) attributes {dimension_semantics = [#tpu.dimension_semantics<core_parallel>, #tpu.dimension_semantics<subcore_parallel>], iteration_bounds = array<i64: 2, 16>, scalar_prefetch = 0 : i64, scratch_operands = 3 : i64, tpu.core_type = #tpu.core_type<sc_vector_subcore>, window_params = [{transform_indices = #map}, {transform_indices = #map1}, {transform_indices = #map1}]} {
    %mul3A = arith.constant 2 : i32
    %mul3A_0 = arith.muli %arg1, %mul3A : i32
    %add3A = arith.addi %mul3A_0, %arg0 : i32
    %mul3A_1 = arith.constant 256 : i32
    %mul3A_2 = arith.muli %add3A, %mul3A_1 : i32
    %add3A_3 = arith.constant 0 : i32
    %add3A_4 = arith.addi %mul3A_2, %add3A_3 : i32
    "tpu.region"() ({
      %run_scoped3A = tpu.sem_alloc : memref<!tpu.dma_semaphore, #tpu.memory_space<semaphore_mem>>
      %dma_start3A_17 = tpu.memref_slice %arg2[%add3A_4] : memref<8192xi32, #tpu.memory_space<hbm>> -> memref<128xi32, #tpu.memory_space<hbm>>
      %dma_start3A_18 = tpu.memref_slice %arg2[%add3A_4] : memref<8192xi32, #tpu.memory_space<hbm>> -> memref<128xi32, #tpu.memory_space<hbm>>
      tpu.enqueue_dma source(%dma_start3A_18 : memref<128xi32, #tpu.memory_space<hbm>>) target(%arg5 : memref<128xi32, #tpu.memory_space<vmem>>) target_semaphore(%run_scoped3A : memref<!tpu.dma_semaphore, #tpu.memory_space<semaphore_mem>>)
      %dma_wait3A_19 = tpu.memref_slice %arg2[%add3A_4] : memref<8192xi32, #tpu.memory_space<hbm>> -> memref<128xi32, #tpu.memory_space<hbm>>
      %dma_wait3A_20 = tpu.memref_slice %arg2[%add3A_4] : memref<8192xi32, #tpu.memory_space<hbm>> -> memref<128xi32, #tpu.memory_space<hbm>>
      tpu.wait_dma2 semaphore(%run_scoped3A : memref<!tpu.dma_semaphore, #tpu.memory_space<semaphore_mem>>) src(%dma_wait3A_20 : memref<128xi32, #tpu.memory_space<hbm>>) dst(%arg5 : memref<128xi32, #tpu.memory_space<vmem>>)
      tpu.yield
    }) : () -> ()
    %dma_start3A = arith.constant 0 : i32
    %dma_start3A_5 = arith.constant 0 : i32
    %dma_start3A_6 = tpu.memref_slice %arg3[%dma_start3A, %dma_start3A_5] : memref<8192x256xf32, #tpu.memory_space<hbm>> -> memref<8192x256xf32, #tpu.memory_space<hbm>>
    tpu.enqueue_indirect_dma source(%dma_start3A_6 : memref<8192x256xf32, #tpu.memory_space<hbm>>) target(%arg6 : memref<128x256xf32, #tpu.memory_space<vmem>>) offsets(%arg5 : memref<128xi32, #tpu.memory_space<vmem>>) semaphore(%arg7 : memref<!tpu.dma_semaphore, #tpu.memory_space<semaphore_mem>>)
    %dma_wait3A = arith.constant 0 : i32
    %dma_wait3A_7 = arith.constant 0 : i32
    %dma_wait3A_8 = tpu.memref_slice %arg3[%dma_wait3A, %dma_wait3A_7] : memref<8192x256xf32, #tpu.memory_space<hbm>> -> memref<8192x256xf32, #tpu.memory_space<hbm>>
    tpu.wait_indirect_dma semaphore(%arg7 : memref<!tpu.dma_semaphore, #tpu.memory_space<semaphore_mem>>) src(%dma_wait3A_8 : memref<8192x256xf32, #tpu.memory_space<hbm>>) dst(%arg6 : memref<128x256xf32, #tpu.memory_space<vmem>>)
    "tpu.region"() ({
      %run_scoped3A = tpu.sem_alloc : memref<!tpu.dma_semaphore, #tpu.memory_space<semaphore_mem>>
      %dma_start3A_17 = arith.constant 0 : i32
      %dma_start3A_18 = tpu.memref_slice %arg4[%add3A_4, %dma_start3A_17] : memref<8192x256xf32, #tpu.memory_space<hbm>> -> memref<128x256xf32, #tpu.memory_space<hbm>>
      %dma_start3A_19 = arith.constant 0 : i32
      %dma_start3A_20 = tpu.memref_slice %arg4[%add3A_4, %dma_start3A_19] : memref<8192x256xf32, #tpu.memory_space<hbm>> -> memref<128x256xf32, #tpu.memory_space<hbm>>
      tpu.enqueue_dma source(%arg6 : memref<128x256xf32, #tpu.memory_space<vmem>>) target(%dma_start3A_20 : memref<128x256xf32, #tpu.memory_space<hbm>>) target_semaphore(%run_scoped3A : memref<!tpu.dma_semaphore, #tpu.memory_space<semaphore_mem>>)
      %dma_wait3A_21 = arith.constant 0 : i32
      %dma_wait3A_22 = tpu.memref_slice %arg4[%add3A_4, %dma_wait3A_21] : memref<8192x256xf32, #tpu.memory_space<hbm>> -> memref<128x256xf32, #tpu.memory_space<hbm>>
      %dma_wait3A_23 = arith.constant 0 : i32
      %dma_wait3A_24 = tpu.memref_slice %arg4[%add3A_4, %dma_wait3A_23] : memref<8192x256xf32, #tpu.memory_space<hbm>> -> memref<128x256xf32, #tpu.memory_space<hbm>>
      tpu.wait_dma2 semaphore(%run_scoped3A : memref<!tpu.dma_semaphore, #tpu.memory_space<semaphore_mem>>) src(%arg6 : memref<128x256xf32, #tpu.memory_space<vmem>>) dst(%dma_wait3A_24 : memref<128x256xf32, #tpu.memory_space<hbm>>)
      tpu.yield
    }) : () -> ()
    %add3A_9 = arith.constant 128 : i32
    %add3A_10 = arith.addi %mul3A_2, %add3A_9 : i32
    "tpu.region"() ({
      %run_scoped3A = tpu.sem_alloc : memref<!tpu.dma_semaphore, #tpu.memory_space<semaphore_mem>>
      %dma_start3A_17 = tpu.memref_slice %arg2[%add3A_10] : memref<8192xi32, #tpu.memory_space<hbm>> -> memref<128xi32, #tpu.memory_space<hbm>>
      %dma_start3A_18 = tpu.memref_slice %arg2[%add3A_10] : memref<8192xi32, #tpu.memory_space<hbm>> -> memref<128xi32, #tpu.memory_space<hbm>>
      tpu.enqueue_dma source(%dma_start3A_18 : memref<128xi32, #tpu.memory_space<hbm>>) target(%arg5 : memref<128xi32, #tpu.memory_space<vmem>>) target_semaphore(%run_scoped3A : memref<!tpu.dma_semaphore, #tpu.memory_space<semaphore_mem>>)
      %dma_wait3A_19 = tpu.memref_slice %arg2[%add3A_10] : memref<8192xi32, #tpu.memory_space<hbm>> -> memref<128xi32, #tpu.memory_space<hbm>>
      %dma_wait3A_20 = tpu.memref_slice %arg2[%add3A_10] : memref<8192xi32, #tpu.memory_space<hbm>> -> memref<128xi32, #tpu.memory_space<hbm>>
      tpu.wait_dma2 semaphore(%run_scoped3A : memref<!tpu.dma_semaphore, #tpu.memory_space<semaphore_mem>>) src(%dma_wait3A_20 : memref<128xi32, #tpu.memory_space<hbm>>) dst(%arg5 : memref<128xi32, #tpu.memory_space<vmem>>)
      tpu.yield
    }) : () -> ()
    %dma_start3A_11 = arith.constant 0 : i32
    %dma_start3A_12 = arith.constant 0 : i32
    %dma_start3A_13 = tpu.memref_slice %arg3[%dma_start3A_11, %dma_start3A_12] : memref<8192x256xf32, #tpu.memory_space<hbm>> -> memref<8192x256xf32, #tpu.memory_space<hbm>>
    tpu.enqueue_indirect_dma source(%dma_start3A_13 : memref<8192x256xf32, #tpu.memory_space<hbm>>) target(%arg6 : memref<128x256xf32, #tpu.memory_space<vmem>>) offsets(%arg5 : memref<128xi32, #tpu.memory_space<vmem>>) semaphore(%arg7 : memref<!tpu.dma_semaphore, #tpu.memory_space<semaphore_mem>>)
    %dma_wait3A_14 = arith.constant 0 : i32
    %dma_wait3A_15 = arith.constant 0 : i32
    %dma_wait3A_16 = tpu.memref_slice %arg3[%dma_wait3A_14, %dma_wait3A_15] : memref<8192x256xf32, #tpu.memory_space<hbm>> -> memref<8192x256xf32, #tpu.memory_space<hbm>>
    tpu.wait_indirect_dma semaphore(%arg7 : memref<!tpu.dma_semaphore, #tpu.memory_space<semaphore_mem>>) src(%dma_wait3A_16 : memref<8192x256xf32, #tpu.memory_space<hbm>>) dst(%arg6 : memref<128x256xf32, #tpu.memory_space<vmem>>)
    "tpu.region"() ({
      %run_scoped3A = tpu.sem_alloc : memref<!tpu.dma_semaphore, #tpu.memory_space<semaphore_mem>>
      %dma_start3A_17 = arith.constant 0 : i32
      %dma_start3A_18 = tpu.memref_slice %arg4[%add3A_10, %dma_start3A_17] : memref<8192x256xf32, #tpu.memory_space<hbm>> -> memref<128x256xf32, #tpu.memory_space<hbm>>
      %dma_start3A_19 = arith.constant 0 : i32
      %dma_start3A_20 = tpu.memref_slice %arg4[%add3A_10, %dma_start3A_19] : memref<8192x256xf32, #tpu.memory_space<hbm>> -> memref<128x256xf32, #tpu.memory_space<hbm>>
      tpu.enqueue_dma source(%arg6 : memref<128x256xf32, #tpu.memory_space<vmem>>) target(%dma_start3A_20 : memref<128x256xf32, #tpu.memory_space<hbm>>) target_semaphore(%run_scoped3A : memref<!tpu.dma_semaphore, #tpu.memory_space<semaphore_mem>>)
      %dma_wait3A_21 = arith.constant 0 : i32
      %dma_wait3A_22 = tpu.memref_slice %arg4[%add3A_10, %dma_wait3A_21] : memref<8192x256xf32, #tpu.memory_space<hbm>> -> memref<128x256xf32, #tpu.memory_space<hbm>>
      %dma_wait3A_23 = arith.constant 0 : i32
      %dma_wait3A_24 = tpu.memref_slice %arg4[%add3A_10, %dma_wait3A_23] : memref<8192x256xf32, #tpu.memory_space<hbm>> -> memref<128x256xf32, #tpu.memory_space<hbm>>
      tpu.wait_dma2 semaphore(%run_scoped3A : memref<!tpu.dma_semaphore, #tpu.memory_space<semaphore_mem>>) src(%arg6 : memref<128x256xf32, #tpu.memory_space<vmem>>) dst(%dma_wait3A_24 : memref<128x256xf32, #tpu.memory_space<hbm>>)
      tpu.yield
    }) : () -> ()
    return
  }
}

module attributes {stable_mosaic.version = 14 : i64} {
  func.func @_argmin_kernel(%arg0: i32, %arg1: memref<256x256xf32, #tpu.memory_space<vmem>>, %arg2: memref<8192x256xf32, #tpu.memory_space<vmem>>, %arg3: memref<1x256x1xi32, #tpu.memory_space<vmem>>, %arg4: memref<256x8192xf32, #tpu.memory_space<vmem>>, %arg5: memref<1x1xf32, #tpu.memory_space<vmem>>, %arg6: memref<1x1xf32, #tpu.memory_space<vmem>>, %arg7: memref<1x1xf32, #tpu.memory_space<vmem>>, %arg8: memref<1x8192xf32, #tpu.memory_space<vmem>>, %arg9: memref<1x8192xf32, #tpu.memory_space<vmem>>) attributes {dimension_semantics = [#tpu.dimension_semantics<arbitrary>], iteration_bounds = array<i64: 32>, scalar_prefetch = 0 : i64, scratch_operands = 3 : i64, tpu.core_type = #tpu.core_type<tc>, window_params = [{transform_indices = @transform_0, window_bounds = array<i64: 256, 256>}, {pipeline_mode = #tpu.pipeline_mode<synchronous>, transform_indices = @transform_1, window_bounds = array<i64: 8192, 256>}, {transform_indices = @transform_2, window_bounds = array<i64: 1, 256, 1>}, {transform_indices = @transform_3, window_bounds = array<i64: 256, 8192>}, {pipeline_mode = #tpu.pipeline_mode<synchronous>, transform_indices = @transform_4, window_bounds = array<i64: 1, 1>}, {pipeline_mode = #tpu.pipeline_mode<synchronous>, transform_indices = @transform_5, window_bounds = array<i64: 1, 1>}]} {
    %get3A = arith.constant 0 : index
    %get3A_0 = arith.constant 0 : index
    %get3A_1 = vector.load %arg1[%get3A, %get3A_0] : memref<256x256xf32, #tpu.memory_space<vmem>>, vector<256x256xf32>
    %mul3A = arith.mulf %get3A_1, %get3A_1 : vector<256x256xf32>
    %reduce_sum3A = arith.constant dense<0.000000e+00> : vector<256xf32>
    %reduce_sum3A_2 = vector.multi_reduction <add>, %mul3A, %reduce_sum3A [1] : vector<256x256xf32> to vector<256xf32>
    %broadcast_in_dim3A = vector.shape_cast %reduce_sum3A_2 : vector<256xf32> to vector<256x1xf32>
    %mul3A_3 = arith.constant 2.000000e+00 : f32
    %mul3A_4 = vector.broadcast %mul3A_3 : f32 to vector<256x256xf32>
    %mul3A_5 = arith.mulf %mul3A_4, %get3A_1 : vector<256x256xf32>
    %eq3A = arith.constant 0 : i32
    %eq3A_6 = arith.cmpi eq, %arg0, %eq3A : i32
    %convert_element_type3A = arith.extui %eq3A_6 : i1 to i32
    %cond3A = arith.constant 0 : i32
    %cond3A_7 = arith.cmpi ne, %convert_element_type3A, %cond3A : i32
    scf.if %cond3A_7 {
      %get3A_115 = arith.constant 0 : index
      %get3A_116 = arith.constant 0 : index
      %get3A_117 = vector.load %arg2[%get3A_115, %get3A_116] : memref<8192x256xf32, #tpu.memory_space<vmem>>, vector<4096x256xf32>
      %mul3A_118 = arith.mulf %get3A_117, %get3A_117 : vector<4096x256xf32>
      %reduce_sum3A_119 = arith.constant dense<0.000000e+00> : vector<4096xf32>
      %reduce_sum3A_120 = vector.multi_reduction <add>, %mul3A_118, %reduce_sum3A_119 [1] : vector<4096x256xf32> to vector<4096xf32>
      %swap3A_121 = arith.constant 0 : index
      %swap3A_122 = arith.constant 0 : index
      %swap3A_123 = vector.load %arg9[%swap3A_121, %swap3A_122] : memref<1x8192xf32, #tpu.memory_space<vmem>>, vector<1x4096xf32>
      %swap3A_124 = vector.shape_cast %swap3A_123 : vector<1x4096xf32> to vector<4096xf32>
      %swap3A_125 = vector.shape_cast %reduce_sum3A_120 : vector<4096xf32> to vector<1x4096xf32>
      tpu.vector_store %arg9[%swap3A_121, %swap3A_122], %swap3A_125 {strides = array<i32>} : memref<1x8192xf32, #tpu.memory_space<vmem>>, vector<1x4096xf32>,
      %get3A_126 = arith.constant 4096 : index
      %get3A_127 = arith.constant 0 : index
      %get3A_128 = vector.load %arg2[%get3A_126, %get3A_127] : memref<8192x256xf32, #tpu.memory_space<vmem>>, vector<4096x256xf32>
      %mul3A_129 = arith.mulf %get3A_128, %get3A_128 : vector<4096x256xf32>
      %reduce_sum3A_130 = arith.constant dense<0.000000e+00> : vector<4096xf32>
      %reduce_sum3A_131 = vector.multi_reduction <add>, %mul3A_129, %reduce_sum3A_130 [1] : vector<4096x256xf32> to vector<4096xf32>
      %swap3A_132 = arith.constant 0 : index
      %swap3A_133 = arith.constant 4096 : index
      %swap3A_134 = vector.load %arg9[%swap3A_132, %swap3A_133] : memref<1x8192xf32, #tpu.memory_space<vmem>>, vector<1x4096xf32>
      %swap3A_135 = vector.shape_cast %swap3A_134 : vector<1x4096xf32> to vector<4096xf32>
      %swap3A_136 = vector.shape_cast %reduce_sum3A_131 : vector<4096xf32> to vector<1x4096xf32>
      tpu.vector_store %arg9[%swap3A_132, %swap3A_133], %swap3A_136 {strides = array<i32>} : memref<1x8192xf32, #tpu.memory_space<vmem>>, vector<1x4096xf32>,
    } else {
    }
    %broadcast_in_dim3A_8 = arith.constant 0x7F800000 : f32
    %broadcast_in_dim3A_9 = vector.broadcast %broadcast_in_dim3A_8 : f32 to vector<256x1xf32>
    %broadcast_in_dim3A_10 = arith.constant 0x7F800000 : f32
    %broadcast_in_dim3A_11 = vector.broadcast %broadcast_in_dim3A_10 : f32 to vector<256x1xf32>
    %broadcast_in_dim3A_12 = arith.constant 0 : i32
    %broadcast_in_dim3A_13 = vector.broadcast %broadcast_in_dim3A_12 : i32 to vector<256x1xi32>
    %broadcast_in_dim3A_14 = arith.constant 0 : i32
    %broadcast_in_dim3A_15 = vector.broadcast %broadcast_in_dim3A_14 : i32 to vector<256x1xi32>
    %get3A_16 = arith.constant 0 : index
    %get3A_17 = arith.constant 0 : index
    %get3A_18 = vector.load %arg2[%get3A_16, %get3A_17] : memref<8192x256xf32, #tpu.memory_space<vmem>>, vector<4096x256xf32>
    %get3A_19 = arith.constant 0 : index
    %get3A_20 = arith.constant 0 : index
    %get3A_21 = vector.load %arg9[%get3A_19, %get3A_20] : memref<1x8192xf32, #tpu.memory_space<vmem>>, vector<1x4096xf32>
    %get3A_22 = vector.shape_cast %get3A_21 : vector<1x4096xf32> to vector<4096xf32>
    %dot_general3A = arith.constant dense<0.000000e+00> : vector<256x4096xf32>
    %dot_general3A_23 = tpu.matmul %mul3A_5, %get3A_18, %dot_general3A {dimension_numbers = #tpu.dot_dimension_numbers<[1], [1], [0], [0], [0, 0, 1, 0], [], []>, transpose_lhs_hint = false} : vector<256x256xf32>, vector<4096x256xf32>, vector<256x4096xf32> -> vector<256x4096xf32>
    %broadcast_in_dim3A_24 = vector.shape_cast %get3A_22 : vector<4096xf32> to vector<1x4096xf32>
    %add3A = vector.broadcast %broadcast_in_dim3A : vector<256x1xf32> to vector<256x4096xf32>
    %add3A_25 = vector.broadcast %broadcast_in_dim3A_24 : vector<1x4096xf32> to vector<256x4096xf32>
    %add3A_26 = arith.addf %add3A, %add3A_25 : vector<256x4096xf32>
    %sub3A = arith.subf %add3A_26, %dot_general3A_23 : vector<256x4096xf32>
    %iota3A = tpu.iota {dimensions = array<i32: 1>} : vector<256x4096xi32>
    %reduce_min3A = arith.constant dense<0x7F800000> : vector<256xf32>
    %reduce_min3A_27 = vector.multi_reduction <minimumf>, %sub3A, %reduce_min3A [1] : vector<256x4096xf32> to vector<256xf32>
    %broadcast_in_dim3A_28 = vector.shape_cast %reduce_min3A_27 : vector<256xf32> to vector<256x1xf32>
    %eq3A_29 = vector.broadcast %broadcast_in_dim3A_28 : vector<256x1xf32> to vector<256x4096xf32>
    %eq3A_30 = arith.cmpf oeq, %sub3A, %eq3A_29 : vector<256x4096xf32>
    %jit3A = arith.constant 8192 : i32
    %broadcast_in_dim3A_31 = vector.broadcast %jit3A : i32 to vector<256x4096xi32>
    %select_n3A = arith.select %eq3A_30, %iota3A, %broadcast_in_dim3A_31 : vector<256x4096xi1>, vector<256x4096xi32>
    %reduce_min3A_32 = arith.constant dense<2147483647> : vector<256xi32>
    %reduce_min3A_33 = vector.multi_reduction <minsi>, %select_n3A, %reduce_min3A_32 [1] : vector<256x4096xi32> to vector<256xi32>
    %broadcast_in_dim3A_34 = vector.shape_cast %reduce_min3A_33 : vector<256xi32> to vector<256x1xi32>
    %add3A_35 = arith.constant 0 : i32
    %add3A_36 = vector.broadcast %add3A_35 : i32 to vector<256x1xi32>
    %add3A_37 = arith.addi %broadcast_in_dim3A_34, %add3A_36 : vector<256x1xi32>
    %lt3A = arith.cmpf olt, %broadcast_in_dim3A_28, %broadcast_in_dim3A_9 : vector<256x1xf32>
    %select_n3A_38 = arith.select %lt3A, %broadcast_in_dim3A_28, %broadcast_in_dim3A_9 : vector<256x1xi1>, vector<256x1xf32>
    %select_n3A_39 = arith.select %lt3A, %add3A_37, %broadcast_in_dim3A_13 : vector<256x1xi1>, vector<256x1xi32>
    %get3A_40 = arith.constant 4096 : index
    %get3A_41 = arith.constant 0 : index
    %get3A_42 = vector.load %arg2[%get3A_40, %get3A_41] : memref<8192x256xf32, #tpu.memory_space<vmem>>, vector<4096x256xf32>
    %get3A_43 = arith.constant 0 : index
    %get3A_44 = arith.constant 4096 : index
    %get3A_45 = vector.load %arg9[%get3A_43, %get3A_44] : memref<1x8192xf32, #tpu.memory_space<vmem>>, vector<1x4096xf32>
    %get3A_46 = vector.shape_cast %get3A_45 : vector<1x4096xf32> to vector<4096xf32>
    %dot_general3A_47 = arith.constant dense<0.000000e+00> : vector<256x4096xf32>
    %dot_general3A_48 = tpu.matmul %mul3A_5, %get3A_42, %dot_general3A_47 {dimension_numbers = #tpu.dot_dimension_numbers<[1], [1], [0], [0], [0, 0, 1, 0], [], []>, transpose_lhs_hint = false} : vector<256x256xf32>, vector<4096x256xf32>, vector<256x4096xf32> -> vector<256x4096xf32>
    %broadcast_in_dim3A_49 = vector.shape_cast %get3A_46 : vector<4096xf32> to vector<1x4096xf32>
    %add3A_50 = vector.broadcast %broadcast_in_dim3A : vector<256x1xf32> to vector<256x4096xf32>
    %add3A_51 = vector.broadcast %broadcast_in_dim3A_49 : vector<1x4096xf32> to vector<256x4096xf32>
    %add3A_52 = arith.addf %add3A_50, %add3A_51 : vector<256x4096xf32>
    %sub3A_53 = arith.subf %add3A_52, %dot_general3A_48 : vector<256x4096xf32>
    %iota3A_54 = tpu.iota {dimensions = array<i32: 1>} : vector<256x4096xi32>
    %reduce_min3A_55 = arith.constant dense<0x7F800000> : vector<256xf32>
    %reduce_min3A_56 = vector.multi_reduction <minimumf>, %sub3A_53, %reduce_min3A_55 [1] : vector<256x4096xf32> to vector<256xf32>
    %broadcast_in_dim3A_57 = vector.shape_cast %reduce_min3A_56 : vector<256xf32> to vector<256x1xf32>
    %eq3A_58 = vector.broadcast %broadcast_in_dim3A_57 : vector<256x1xf32> to vector<256x4096xf32>
    %eq3A_59 = arith.cmpf oeq, %sub3A_53, %eq3A_58 : vector<256x4096xf32>
    %jit3A_60 = arith.constant 8192 : i32
    %broadcast_in_dim3A_61 = vector.broadcast %jit3A_60 : i32 to vector<256x4096xi32>
    %select_n3A_62 = arith.select %eq3A_59, %iota3A_54, %broadcast_in_dim3A_61 : vector<256x4096xi1>, vector<256x4096xi32>
    %reduce_min3A_63 = arith.constant dense<2147483647> : vector<256xi32>
    %reduce_min3A_64 = vector.multi_reduction <minsi>, %select_n3A_62, %reduce_min3A_63 [1] : vector<256x4096xi32> to vector<256xi32>
    %broadcast_in_dim3A_65 = vector.shape_cast %reduce_min3A_64 : vector<256xi32> to vector<256x1xi32>
    %add3A_66 = arith.constant 4096 : i32
    %add3A_67 = vector.broadcast %add3A_66 : i32 to vector<256x1xi32>
    %add3A_68 = arith.addi %broadcast_in_dim3A_65, %add3A_67 : vector<256x1xi32>
    %lt3A_69 = arith.cmpf olt, %broadcast_in_dim3A_57, %broadcast_in_dim3A_11 : vector<256x1xf32>
    %select_n3A_70 = arith.select %lt3A_69, %broadcast_in_dim3A_57, %broadcast_in_dim3A_11 : vector<256x1xi1>, vector<256x1xf32>
    %select_n3A_71 = arith.select %lt3A_69, %add3A_68, %broadcast_in_dim3A_15 : vector<256x1xi1>, vector<256x1xi32>
    %convert_element_type3A_72 = arith.truncf %select_n3A_38 : vector<256x1xf32> to vector<256x1xbf16>
    %convert_element_type3A_73 = arith.extf %convert_element_type3A_72 : vector<256x1xbf16> to vector<256x1xf32>
    %lt3A_74 = arith.cmpf olt, %select_n3A_70, %convert_element_type3A_73 : vector<256x1xf32>
    %eq3A_75 = arith.cmpf oeq, %select_n3A_70, %convert_element_type3A_73 : vector<256x1xf32>
    %lt3A_76 = arith.cmpi slt, %select_n3A_71, %select_n3A_39 : vector<256x1xi32>
    %and3A = arith.andi %eq3A_75, %lt3A_76 : vector<256x1xi1>
    %or3A = arith.ori %lt3A_74, %and3A : vector<256x1xi1>
    %select_n3A_77 = arith.select %or3A, %select_n3A_71, %select_n3A_39 : vector<256x1xi1>, vector<256x1xi32>
    %select_n3A_78 = arith.select %or3A, %select_n3A_70, %select_n3A_38 : vector<256x1xi1>, vector<256x1xf32>
    %swap3A = arith.constant 0 : index
    %swap3A_79 = arith.constant 0 : index
    %swap3A_80 = arith.constant 0 : index
    %swap3A_81 = vector.load %arg3[%swap3A, %swap3A_79, %swap3A_80] : memref<1x256x1xi32, #tpu.memory_space<vmem>>, vector<1x256x1xi32>
    %swap3A_82 = vector.shape_cast %swap3A_81 : vector<1x256x1xi32> to vector<256x1xi32>
    %swap3A_83 = vector.shape_cast %select_n3A_77 : vector<256x1xi32> to vector<1x256x1xi32>
    tpu.vector_store %arg3[%swap3A, %swap3A_79, %swap3A_80], %swap3A_83 {strides = array<i32>} : memref<1x256x1xi32, #tpu.memory_space<vmem>>, vector<1x256x1xi32>,
    %iota3A_84 = tpu.iota {dimensions = array<i32: 1>} : vector<256x8192xi32>
    %eq3A_85 = vector.broadcast %select_n3A_77 : vector<256x1xi32> to vector<256x8192xi32>
    %eq3A_86 = arith.cmpi eq, %iota3A_84, %eq3A_85 : vector<256x8192xi32>
    %jit3A_87 = arith.constant 1.000000e+00 : f32
    %jit3A_88 = arith.constant 0.000000e+00 : f32
    %broadcast_in_dim3A_89 = vector.broadcast %jit3A_87 : f32 to vector<256x8192xf32>
    %broadcast_in_dim3A_90 = vector.broadcast %jit3A_88 : f32 to vector<256x8192xf32>
    %select_n3A_91 = arith.select %eq3A_86, %broadcast_in_dim3A_89, %broadcast_in_dim3A_90 : vector<256x8192xi1>, vector<256x8192xf32>
    %swap3A_92 = arith.constant 0 : index
    %swap3A_93 = arith.constant 0 : index
    %swap3A_94 = vector.load %arg4[%swap3A_92, %swap3A_93] : memref<256x8192xf32, #tpu.memory_space<vmem>>, vector<256x8192xf32>
    tpu.vector_store %arg4[%swap3A_92, %swap3A_93], %select_n3A_91 {strides = array<i32>} : memref<256x8192xf32, #tpu.memory_space<vmem>>, vector<256x8192xf32>,
    %reduce_sum3A_95 = arith.constant dense<0.000000e+00> : vector<8192xf32>
    %reduce_sum3A_96 = vector.multi_reduction <add>, %select_n3A_91, %reduce_sum3A_95 [0] : vector<256x8192xf32> to vector<8192xf32>
    %broadcast_in_dim3A_97 = vector.shape_cast %reduce_sum3A_96 : vector<8192xf32> to vector<1x8192xf32>
    %reduce_sum3A_98 = arith.constant dense<0.000000e+00> : vector<1xf32>
    %reduce_sum3A_99 = vector.multi_reduction <add>, %select_n3A_78, %reduce_sum3A_98 [0] : vector<256x1xf32> to vector<1xf32>
    %broadcast_in_dim3A_100 = vector.shape_cast %reduce_sum3A_99 : vector<1xf32> to vector<1x1xf32>
    %eq3A_101 = arith.constant 0 : i32
    %eq3A_102 = arith.cmpi eq, %arg0, %eq3A_101 : i32
    %convert_element_type3A_103 = arith.extui %eq3A_102 : i1 to i32
    %cond3A_104 = arith.constant 0 : i32
    %cond3A_105 = arith.cmpi ne, %convert_element_type3A_103, %cond3A_104 : i32
    scf.if %cond3A_105 {
      %swap3A_115 = arith.constant 0 : index
      %swap3A_116 = arith.constant 0 : index
      %swap3A_117 = vector.load %arg8[%swap3A_115, %swap3A_116] : memref<1x8192xf32, #tpu.memory_space<vmem>>, vector<1x8192xf32>
      tpu.vector_store %arg8[%swap3A_115, %swap3A_116], %broadcast_in_dim3A_97 {strides = array<i32>} : memref<1x8192xf32, #tpu.memory_space<vmem>>, vector<1x8192xf32>,
      %swap3A_118 = arith.constant 0 : index
      %swap3A_119 = arith.constant 0 : index
      %swap3A_120 = vector.load %arg7[%swap3A_118, %swap3A_119] : memref<1x1xf32, #tpu.memory_space<vmem>>, vector<1x1xf32>
      tpu.vector_store %arg7[%swap3A_118, %swap3A_119], %broadcast_in_dim3A_100 {strides = array<i32>} : memref<1x1xf32, #tpu.memory_space<vmem>>, vector<1x1xf32>,
    } else {
    }
    %gt3A = arith.constant 0 : i32
    %gt3A_106 = arith.cmpi sgt, %arg0, %gt3A : i32
    %convert_element_type3A_107 = arith.extui %gt3A_106 : i1 to i32
    %cond3A_108 = arith.constant 0 : i32
    %cond3A_109 = arith.cmpi ne, %convert_element_type3A_107, %cond3A_108 : i32
    scf.if %cond3A_109 {
      %get3A_115 = arith.constant 0 : index
      %get3A_116 = arith.constant 0 : index
      %get3A_117 = vector.load %arg8[%get3A_115, %get3A_116] : memref<1x8192xf32, #tpu.memory_space<vmem>>, vector<1x8192xf32>
      %add3A_118 = arith.addf %get3A_117, %broadcast_in_dim3A_97 : vector<1x8192xf32>
      %swap3A_119 = arith.constant 0 : index
      %swap3A_120 = arith.constant 0 : index
      %swap3A_121 = vector.load %arg8[%swap3A_119, %swap3A_120] : memref<1x8192xf32, #tpu.memory_space<vmem>>, vector<1x8192xf32>
      tpu.vector_store %arg8[%swap3A_119, %swap3A_120], %add3A_118 {strides = array<i32>} : memref<1x8192xf32, #tpu.memory_space<vmem>>, vector<1x8192xf32>,
      %get3A_122 = arith.constant 0 : index
      %get3A_123 = arith.constant 0 : index
      %get3A_124 = vector.load %arg7[%get3A_122, %get3A_123] : memref<1x1xf32, #tpu.memory_space<vmem>>, vector<1x1xf32>
      %add3A_125 = arith.addf %get3A_124, %broadcast_in_dim3A_100 : vector<1x1xf32>
      %swap3A_126 = arith.constant 0 : index
      %swap3A_127 = arith.constant 0 : index
      %swap3A_128 = vector.load %arg7[%swap3A_126, %swap3A_127] : memref<1x1xf32, #tpu.memory_space<vmem>>, vector<1x1xf32>
      tpu.vector_store %arg7[%swap3A_126, %swap3A_127], %add3A_125 {strides = array<i32>} : memref<1x1xf32, #tpu.memory_space<vmem>>, vector<1x1xf32>,
    } else {
    }
    %eq3A_110 = arith.constant 31 : i32
    %eq3A_111 = arith.cmpi eq, %arg0, %eq3A_110 : i32
    %convert_element_type3A_112 = arith.extui %eq3A_111 : i1 to i32
    %cond3A_113 = arith.constant 0 : i32
    %cond3A_114 = arith.cmpi ne, %convert_element_type3A_112, %cond3A_113 : i32
    scf.if %cond3A_114 {
      %get3A_115 = arith.constant 0 : index
      %get3A_116 = arith.constant 0 : index
      %get3A_117 = vector.load %arg7[%get3A_115, %get3A_116] : memref<1x1xf32, #tpu.memory_space<vmem>>, vector<1x1xf32>
      %mul3A_118 = arith.constant 4.76837158E-7 : f32
      %mul3A_119 = vector.broadcast %mul3A_118 : f32 to vector<1x1xf32>
      %mul3A_120 = arith.mulf %get3A_117, %mul3A_119 : vector<1x1xf32>
      %mul3A_121 = arith.constant 2.500000e-01 : f32
      %mul3A_122 = vector.broadcast %mul3A_121 : f32 to vector<1x1xf32>
      %mul3A_123 = arith.mulf %mul3A_122, %mul3A_120 : vector<1x1xf32>
      %add3A_124 = arith.addf %mul3A_120, %mul3A_123 : vector<1x1xf32>
      %swap3A_125 = arith.constant 0 : index
      %swap3A_126 = arith.constant 0 : index
      %swap3A_127 = vector.load %arg5[%swap3A_125, %swap3A_126] : memref<1x1xf32, #tpu.memory_space<vmem>>, vector<1x1xf32>
      tpu.vector_store %arg5[%swap3A_125, %swap3A_126], %add3A_124 {strides = array<i32>} : memref<1x1xf32, #tpu.memory_space<vmem>>, vector<1x1xf32>,
      %get3A_128 = arith.constant 0 : index
      %get3A_129 = arith.constant 0 : index
      %get3A_130 = vector.load %arg8[%get3A_128, %get3A_129] : memref<1x8192xf32, #tpu.memory_space<vmem>>, vector<1x8192xf32>
      %mul3A_131 = arith.constant 1.22070313E-4 : f32
      %mul3A_132 = vector.broadcast %mul3A_131 : f32 to vector<1x8192xf32>
      %mul3A_133 = arith.mulf %get3A_130, %mul3A_132 : vector<1x8192xf32>
      %add3A_134 = arith.constant 1.000000e-10 : f32
      %add3A_135 = vector.broadcast %add3A_134 : f32 to vector<1x8192xf32>
      %add3A_136 = arith.addf %mul3A_133, %add3A_135 : vector<1x8192xf32>
      %log3A = math.log %add3A_136 : vector<1x8192xf32>
      %mul3A_137 = arith.mulf %mul3A_133, %log3A : vector<1x8192xf32>
      %reduce_sum3A_138 = arith.constant dense<0.000000e+00> : vector<1xf32>
      %reduce_sum3A_139 = vector.multi_reduction <add>, %mul3A_137, %reduce_sum3A_138 [1] : vector<1x8192xf32> to vector<1xf32>
      %broadcast_in_dim3A_140 = vector.shape_cast %reduce_sum3A_139 : vector<1xf32> to vector<1x1xf32>
      %neg3A = arith.constant 0.000000e+00 : f32
      %neg3A_141 = vector.broadcast %neg3A : f32 to vector<1x1xf32>
      %neg3A_142 = arith.subf %neg3A_141, %broadcast_in_dim3A_140 : vector<1x1xf32>
      %exp3A = math.exp %neg3A_142 : vector<1x1xf32>
      %swap3A_143 = arith.constant 0 : index
      %swap3A_144 = arith.constant 0 : index
      %swap3A_145 = vector.load %arg6[%swap3A_143, %swap3A_144] : memref<1x1xf32, #tpu.memory_space<vmem>>, vector<1x1xf32>
      tpu.vector_store %arg6[%swap3A_143, %swap3A_144], %exp3A {strides = array<i32>} : memref<1x1xf32, #tpu.memory_space<vmem>>, vector<1x1xf32>,
    } else {
    }
    return
  }
  func.func @transform_0(%arg0: i32) -> (i32, i32) {
    %c0_i32 = arith.constant 0 : i32
    %c0_i32_0 = arith.constant 0 : i32
    return %arg0, %c0_i32 : i32, i32
  }
  func.func @transform_1(%arg0: i32) -> (i32, i32) {
    %c0_i32 = arith.constant 0 : i32
    %c0_i32_0 = arith.constant 0 : i32
    %c0_i32_1 = arith.constant 0 : i32
    return %c0_i32, %c0_i32_0 : i32, i32
  }
  func.func @transform_2(%arg0: i32) -> (i32, i32, i32) {
    %c0_i32 = arith.constant 0 : i32
    %c0_i32_0 = arith.constant 0 : i32
    %c0_i32_1 = arith.constant 0 : i32
    return %arg0, %c0_i32, %c0_i32_0 : i32, i32, i32
  }
  func.func @transform_3(%arg0: i32) -> (i32, i32) {
    %c0_i32 = arith.constant 0 : i32
    %c0_i32_0 = arith.constant 0 : i32
    return %arg0, %c0_i32 : i32, i32
  }
  func.func @transform_4(%arg0: i32) -> (i32, i32) {
    %c0_i32 = arith.constant 0 : i32
    %c0_i32_0 = arith.constant 0 : i32
    %c0_i32_1 = arith.constant 0 : i32
    return %c0_i32, %c0_i32_0 : i32, i32
  }
  func.func @transform_5(%arg0: i32) -> (i32, i32) {
    %c0_i32 = arith.constant 0 : i32
    %c0_i32_0 = arith.constant 0 : i32
    %c0_i32_1 = arith.constant 0 : i32
    return %c0_i32, %c0_i32_0 : i32, i32
  }
}

module attributes {stable_mosaic.version = 14 : i64} {
  func.func @_st_kernel(%arg0: i32, %arg1: memref<256x256xf32, #tpu.memory_space<vmem>>, %arg2: memref<256x256xf32, #tpu.memory_space<vmem>>, %arg3: memref<256x256xf32, #tpu.memory_space<vmem>>) attributes {dimension_semantics = [#tpu.dimension_semantics<arbitrary>], iteration_bounds = array<i64: 32>, scalar_prefetch = 0 : i64, scratch_operands = 0 : i64, tpu.core_type = #tpu.core_type<tc>, window_params = [{transform_indices = @transform_0, window_bounds = array<i64: 256, 256>}, {transform_indices = @transform_1, window_bounds = array<i64: 256, 256>}, {transform_indices = @transform_2, window_bounds = array<i64: 256, 256>}]} {
    %get3A = arith.constant 0 : index
    %get3A_0 = arith.constant 0 : index
    %get3A_1 = vector.load %arg1[%get3A, %get3A_0] : memref<256x256xf32, #tpu.memory_space<vmem>>, vector<256x256xf32>
    %get3A_2 = arith.constant 0 : index
    %get3A_3 = arith.constant 0 : index
    %get3A_4 = vector.load %arg2[%get3A_2, %get3A_3] : memref<256x256xf32, #tpu.memory_space<vmem>>, vector<256x256xf32>
    %sub3A = arith.subf %get3A_4, %get3A_1 : vector<256x256xf32>
    %add3A = arith.addf %get3A_1, %sub3A : vector<256x256xf32>
    %swap3A = arith.constant 0 : index
    %swap3A_5 = arith.constant 0 : index
    %swap3A_6 = vector.load %arg3[%swap3A, %swap3A_5] : memref<256x256xf32, #tpu.memory_space<vmem>>, vector<256x256xf32>
    tpu.vector_store %arg3[%swap3A, %swap3A_5], %add3A {strides = array<i32>} : memref<256x256xf32, #tpu.memory_space<vmem>>, vector<256x256xf32>,
    return
  }
  func.func @transform_0(%arg0: i32) -> (i32, i32) {
    %c0_i32 = arith.constant 0 : i32
    %c0_i32_0 = arith.constant 0 : i32
    return %arg0, %c0_i32 : i32, i32
  }
  func.func @transform_1(%arg0: i32) -> (i32, i32) {
    %c0_i32 = arith.constant 0 : i32
    %c0_i32_0 = arith.constant 0 : i32
    return %arg0, %c0_i32 : i32, i32
  }
  func.func @transform_2(%arg0: i32) -> (i32, i32) {
    %c0_i32 = arith.constant 0 : i32
    %c0_i32_0 = arith.constant 0 : i32
    return %arg0, %c0_i32 : i32, i32
  }
}

</mosaic_0001>

<sc_bundles>
// kernel: kernel.5.cloned.1.call-start
scs
__scs_entry_jumppad:
0x0: {  	(pc) =	sbr.rel $0x88, $3  }
0x1: {  	(tag) =	ssettag $0x0;
	lr =	simm.s32 $0x1  }
0x2: {  	[smem:$0x3F9F] =	sst lr;
	_ =	strace $0xD0000000  }
0x3: {  	_ = 	snop  }
0x4: {  	_ = 	snop  }
0x5: {  	_ = 	snop  }
0x6: {  	_ = 	snop  }
0x7: {  	_ = 	snop  }
__scs_overlays_trampoline_lowered:
0x8: {  	[smem:$0x3FAE] =	sst s0  }
0x9: {  	[smem:$0x3FAF] =	sst s1  }
0xa: {  	[smem:$0x3FB0] =	sst s2  }
0xb: {  	[smem:$0x3FB1] =	sst s3  }
0xc: {  	[smem:$0x3FB2] =	sst s4  }
0xd: {  	[smem:$0x3FB3] =	sst s5  }
0xe: {  	[smem:$0x3FB4] =	sst s6  }
0xf: {  	[smem:$0x3FB5] =	sst s7  }
0x10: {  	[smem:$0x3FB6] =	sst s8  }
0x11: {  	[smem:$0x3FB7] =	sst s9;
	s0 =	simm.s32 @!p0 $0x0  }
0x12: {  	s1 =	sld [smem:$0x3F9D];
	s0 =	simm.s32 @p0 $0x1  }
0x13: {  	[smem:$0x3FB8] =	sst s0;
	s0 =	simm.s32 @!p1 $0x0  }
0x14: {  	s2 =	sld [smem:$0x3F9C];
	s0 =	simm.s32 @p1 $0x1  }
0x15: {  	[smem:$0x3FB9] =	sst s0;
	s0 =	simm.s32 @!p2 $0x0  }
0x16: {  	s3 =	sld [smem:$0x3FDB];
	s0 =	simm.s32 @p2 $0x1  }
0x17: {  	s4 =	simm.s32 $0x1BF5;
	[smem:$0x3FBB] =	sst s0  }
0x18: {  	s0 =	sld [smem:$0x3F9E];
	_ =	swait.ge [sflag:s4], $0x0  }
0x19: {  	s7 =	sld [smem:$0x3F9F]  }
0x1a: {  	s8 =	sadd.s32 $0xFFFFE003, lr  }
0x1b: {  	s9 =	sadd.s32 $0xFFFFFEF7, lr;
	s5 =	simm.s32 $0xFFFFFFFF;
	p2 =	slt.u32 s8, $0xFFFFF086  }
0x1c: {  	p1 =	slt.u32 s9, $0xF7A;
	s5 =	simm.s32 @!p2 $0x0  }
0x1d: {  	s5 =	simm.s32 @p1 $0x1;
	p0 =	seq.s32 s7, s2  }
0x1e: {  	s7 =	smul.u32 @!p0 $0xF7A, s2;
	p2 =	seq.s32 @!p0 s5, $0x0  }
0x1f: {  	s9 =	smul.u32 $0xF7A, s1;
	s8 =	simm.s32 @!p0 $0x1BF5;
	p2 =	por !p2, p0  }
0x20: {  	[sflag:s8] =	ssyncset.s32 @!p0 $0xFFFFF086;
	s6 =	sadd.s32 @!p0 s3, s7;
	s7 =	simm.s32 @!p0 $0x108  }
0x21: {  	s3 =	sadd.s32 s3, s9;
	s6 =	sadd.s32 @!p0 $0x88, s6;
	s7 =	simm.s32 @p2 $0x1082  }
0x22: {  	[simem:s7], [sflag:s8] =	dma.local @!p0 [hbm:s6], $0xF7A  }
0x23: {  	s9 =	sor.u32 $0xD0000000, s2;
	s6 =	simm.s32 $0x108;
	_ =	swait.ge @!p0 [sflag:s8], $0x0  }
0x24: {  	s3 =	sadd.s32 $0x88, s3;
	s6 =	simm.s32 @!p1 $0x1082;
	[sflag:s4] =	ssyncset.s32 $0xFFFFF086  }
0x25: {  	[simem:s6], [sflag:s4] =	dma.local [hbm:s3], $0xF7A  }
0x26: {  	[smem:$0x3F9F] =	sst s1;
	(tag) =	ssettag s2;
	_ =	strace s9  }
0x27: {  	s1 =	sld [smem:$0x3FAF]  }
0x28: {  	s2 =	sld [smem:$0x3FB0]  }
0x29: {  	s4 =	sld [smem:$0x3FB2]  }
0x2a: {  	p0 =	seq.s32 s5, $0x0;
	s5 =	sld [smem:$0x3FB3]  }
0x2b: {  	s6 =	sld [smem:$0x3FB4]  }
0x2c: {  	s7 =	sld [smem:$0x3FB5]  }
0x2d: {  	s3 =	simm.s32 $0x108;
	s8 =	sld [smem:$0x3FB6]  }
0x2e: {  	s3 =	simm.s32 @!p0 $0x1082;
	s9 =	sld [smem:$0x3FB7]  }
0x2f: {  	lr =	sadd.s32 s0, s3;
	s0 =	sld [smem:$0x3FAE]  }
0x30: {  	s3 =	sld [smem:$0x3FB1]  }
0x31: {  	[smem:$0x3FBA] =	sst s10  }
0x32: {  	s10 =	sld [smem:$0x3FB8];
	_ =	sdelay $0x3  }
0x33: {  	p0 =	seq.s32 s10, $0x1;
	s10 =	sld [smem:$0x3FBA];
	_ =	sdelay $0x3  }
0x34: {  	[smem:$0x3FBA] =	sst s10  }
0x35: {  	s10 =	sld [smem:$0x3FB9];
	_ =	sdelay $0x3  }
0x36: {  	p1 =	seq.s32 s10, $0x1;
	s10 =	sld [smem:$0x3FBA];
	_ =	sdelay $0x3  }
0x37: {  	[smem:$0x3FBA] =	sst s10  }
0x38: {  	s10 =	sld [smem:$0x3FBB]  }
0x39: {  	_ = 	snop;
	(pc) =	sbr.ind lr, $3  }
0x3a: {  	_ = 	snop  }
0x3b: {  	_ = 	snop  }
0x3c: {  	p2 =	seq.s32 s10, $0x1;
	s10 =	sld [smem:$0x3FBA]  }
0x3d: {  	_ =	shalt  }
0x3e: {  	_ =	shalt  }
0x3f: {  	_ =	shalt  }
0x40: {  	_ =	shalt  }
0x41: {  	_ =	shalt  }
0x42: {  	_ =	shalt  }
0x43: {  	_ =	shalt  }
0x44: {  	_ =	shalt  }
0x45: {  	_ =	shalt  }
0x46: {  	_ =	shalt  }
0x47: {  	_ =	shalt  }
0x48: {  	_ =	shalt  }
0x49: {  	_ =	shalt  }
0x4a: {  	_ =	shalt  }
0x4b: {  	_ =	shalt  }
0x4c: {  	_ =	shalt  }
0x4d: {  	_ =	shalt  }
0x4e: {  	_ =	shalt  }
0x4f: {  	_ =	shalt  }
0x50: {  	_ =	shalt  }
0x51: {  	_ =	shalt  }
0x52: {  	_ =	shalt  }
0x53: {  	_ =	shalt  }
0x54: {  	_ =	shalt  }
0x55: {  	_ =	shalt  }
0x56: {  	_ =	shalt  }
0x57: {  	_ =	shalt  }
0x58: {  	_ =	shalt  }
0x59: {  	_ =	shalt  }
0x5a: {  	_ =	shalt  }
0x5b: {  	_ =	shalt  }
0x5c: {  	_ =	shalt  }
0x5d: {  	_ =	shalt  }
0x5e: {  	_ =	shalt  }
0x5f: {  	_ =	shalt  }
0x60: {  	_ =	shalt  }
0x61: {  	_ =	shalt  }
0x62: {  	_ =	shalt  }
0x63: {  	_ =	shalt  }
0x64: {  	_ =	shalt  }
0x65: {  	_ =	shalt  }
0x66: {  	_ =	shalt  }
0x67: {  	_ =	shalt  }
0x68: {  	_ =	shalt  }
0x69: {  	_ =	shalt  }
0x6a: {  	_ =	shalt  }
0x6b: {  	_ =	shalt  }
0x6c: {  	_ =	shalt  }
0x6d: {  	_ =	shalt  }
0x6e: {  	_ =	shalt  }
0x6f: {  	_ =	shalt  }
0x70: {  	_ =	shalt  }
0x71: {  	_ =	shalt  }
0x72: {  	_ =	shalt  }
0x73: {  	_ =	shalt  }
0x74: {  	_ =	shalt  }
0x75: {  	_ =	shalt  }
0x76: {  	_ =	shalt  }
0x77: {  	_ =	shalt  }
0x78: {  	_ =	shalt  }
0x79: {  	_ =	shalt  }
0x7a: {  	_ =	shalt  }
0x7b: {  	_ =	shalt  }
0x7c: {  	_ =	shalt  }
0x7d: {  	_ =	shalt  }
0x7e: {  	_ =	shalt  }
0x7f: {  	_ =	shalt  }
0x80: {  	_ =	shalt  }
0x81: {  	_ =	shalt  }
0x82: {  	_ =	shalt  }
0x83: {  	_ =	shalt  }
0x84: {  	_ =	shalt  }
0x85: {  	_ =	shalt  }
0x86: {  	_ =	shalt  }
0x87: {  	_ =	shalt  }
.Lfunc_end0:
.L_simem_size_0:
called_computation_lowered:
.L_overlay_start_0:
0x88: {  	s2 =	sld [smem:$0x3FD9]  }
0x89: {  	s3 =	sld [smem:$0x3FFE];
	_ =	sdelay $0x1  }
0x8a: {  	s1 =	srdreg.scid  }
0x8b: {  	s0 =	sand.u32 $0x1, s1  }
0x8c: {  	s14 =	sshll.u32 s0, $0xA;
	s2 =	sadd.s32 s3, s2  }
0x8d: {  	s2 =	sadd.s32 s2, s14  }
0x8e: {  	[smem:$0x3FC6] =	sst s2  }
0x8f: {  	_ = 	snop  }
0x90: {  	s2 =	sld [smem:$0x3FD0];
	_ =	sdelay $0x2  }
0x91: {  	s4 =	simm.s32 $0xA;
	s5 =	simm.s32 $0x10;
	s15 =	sld [smem:$0x3FC8]  }
0x92: {  	[smem:s5], [sflag:s4] =	dma.local [hbm:s2], $0x1  }
0x93: {  	_ =	swait.eq [sflag:s4], $0x1  }
0x94: {  	[sflag:s4] =	ssyncset.done $0x0  }
0x95: {  	[sflag:s4] =	ssyncadd.s32 $0xFFFFFFFF  }
0x96: {  	s16 =	sld [smem:$0x10];
	(tm) =	ssettm $0x1  }
0x97: {  	s17 =	sld [smem:$0x3FFB];
	_ =	sdelay $0x3  }
0x98: {  	_ =	strace s17  }
0x99: {  	s4 =	sld [smem:$0x3FFC];
	_ =	sdelay $0x3  }
0x9a: {  	_ =	strace s4  }
0x9b: {  	s4 =	sld [smem:$0x3FFD];
	_ =	sdelay $0x3  }
0x9c: {  	_ =	strace s4  }
0x9d: {  	_ =	strace $0x8FFFFFFF  }
0x9e: {  	s18 =	sld [smem:$0x3FDB];
	_ =	sdelay $0x1  }
0x9f: {  	s19 =	simm.s32 $_scs_section_size  }
0xa0: {  	s6 =	simm.s32 $_size__tile_overlayer_lowered;
	s7 =	simm.s32 $_tile_overlayer_lowered  }
0xa1: {  	s22 =	simm.s32 $0x1BFF;
	s21 =	sshll.u32 s7, $0x1;
	s4 =	sadd.s32 s19, s18  }
0xa2: {  	s8 =	simm.s32 $0x0;
	s20 =	sshll.u32 s6, $0x1;
	s6 =	sadd.s32 s21, s4  }
0xa3: {  	[timem:s8], [sflag:s22] =	dma.local [hbm:s6], s20  }
0xa4: {  	_ =	swait.ge [sflag:s22], s20  }
0xa5: {  	s5 =	ssub.s32 $0x0, s20;
	[sflag:s22] =	ssyncset.done $0x0  }
0xa6: {  	[sflag:s22] =	ssyncadd.s32 s5;
	_ =	sdelay $0x1  }
0xa7: {  	s23 =	simm.s32 $0x1B8B  }
0xa8: {  	_ =	swait.ge [sflag:s23], $0x1  }
0xa9: {  	[sflag:s23] =	ssyncset.done $0x0  }
0xaa: {  	s25 =	simm.s32 $0x1B8E;
	s24 =	sld [smem:$0x3FFE];
	[sflag:s23] =	ssyncadd.s32 $0xFFFFFFFF  }
0xab: {  	s26 =	simm.s32 $execute0_lowered;
	[smem:$0x3FD2] =	sst s25  }
0xac: {  	s6 =	sshll.u32 s26, $0x1;
	_ =	strace $0x80000046;
	[dreg:$0x1] =	wrdreg $0xFFFFFFFF  }
0xad: {  	s28 =	simm.s32 $_size_execute0_lowered;
	s4 =	sadd.s32 s4, s6;
	[dreg:$0x0] =	wrdreg $0x0  }
0xae: {  	s6 =	sshll.u32 s28, $0x1;
	[dreg:$0x2] =	wrdreg s4  }
0xaf: {  	[dreg:$0x3] =	wrdreg s6  }
0xb0: {  	[dreg:$0x4] =	wrdreg $0xC0  }
0xb1: {  	_ =	task [dreg:s8], $0x5FFFF  }
0xb2: {  	[dreg:$0x1] =	wrdreg $0xFFFFFFFF  }
0xb3: {  	[dreg:$0x0] =	wrdreg $0x60  }
0xb4: {  	[dreg:$0x2] =	wrdreg s24  }
0xb5: {  	[dreg:$0x3] =	wrdreg s15  }
0xb6: {  	[dreg:$0x4] =	wrdreg s16  }
0xb7: {  	[dreg:$0x5] =	wrdreg $0x9  }
0xb8: {  	_ =	task.clear_ibuf [dreg:s8], $0x6FFFF;
	_ =	strace $0x90000046  }
0xb9: {  	s29 =	simm.s32 $0x9;
	_ =	strace $0x80000048  }
0xba: {  	_ =	swait.ge [sflag:s29], $0x1  }
0xbb: {  	[sflag:s29] =	ssyncadd.s32 $0xFFFFFFFF  }
0xbc: {  	_ =	strace $0x90000048  }
0xbd: {  	_ =	sfence  }
0xbe: {  	s30 =	sld [smem:$0x0];
	_ =	sdelay $0x2  }
0xbf: {  	s31 =	sshll.u32 s1, $0xD;
	s1 =	sshrl.u32 s1, $0x2  }
0xc0: {  	s3 =	sand.u32 $0x4000, s31;
	s1 =	sadd.s32 s1, s30  }
0xc1: {  	s0 =	sor.u32 s3, s0;
	s1 =	sshll.u32 s1, $0x11  }
0xc2: {  	s0 =	sor.u32 s1, s0  }
0xc3: {  	s0 =	sadd.s32 $0x8F2B, s0  }
0xc4: {  	[sflag:s0] =	ssyncadd.remote.s32 $0x1  }
0xc5: {  	_ =	sfence.sel $0xFFFF  }
0xc6: {  	[dreg:$0x0] =	wrdreg $0xFFFFFFFF;
	(pc) =	sbr.abs _section_cstart, $3  }
0xc7: {  	[dreg:$0x1] =	wrdreg $0xFFFFFFFF  }
0xc8: {  	_ =	task.clear_ibuf [dreg:s8], $0x2FFFF;
	_ =	strace $0x9FFFFFFF  }
0xc9: {  	(tm) =	ssettm $0x7FFFFFFF  }
tec
execute0_lowered:
.L_overlay_start_1:
0x0: {  	(tag) =	ssettag $0x1  }
0x1: {  	s4 =	rddreg [dreg:$0x0]  }
0x2: {  	s1 =	rddreg [dreg:$0x1]  }
0x3: {  	s7 =	rddreg [dreg:$0x2]  }
0x4: {  	s0 =	rddreg [dreg:$0x3];
	s3 =	simm.s32 $0x0;
	s5 =	srdreg.scid  }
0x5: {  	s2 =	stileid.u32;
	s11 =	simm.s32 $0x880;
	s12 =	simm.s32 $0x1080  }
0x6: {  	s13 =	simm.s32 $0x1880;
	s14 =	simm.s32 $0x2080;
	s15 =	simm.s32 $0x2880  }
0x7: {  	s16 =	simm.s32 $0x3080;
	s17 =	simm.s32 $0x3880;
	s18 =	simm.s32 $0x4080  }
0x8: {  	s19 =	simm.s32 $0x4880;
	s20 =	simm.s32 $0x5080;
	s21 =	simm.s32 $0x5880  }
0x9: {  	s22 =	simm.s32 $0x6080;
	s23 =	simm.s32 $0x6880;
	s24 =	simm.s32 $0x7080  }
0xa: {  	s25 =	simm.s32 $0x7880;
	s26 =	simm.s32 $0x1;
	s5 =	sand.u32 $0x1, s5  }
0xb: {  	[smem:$0x7FF] =	sst s3;
	s8 =	sshll.u32 s2, $0x9;
	s6 =	ssub.s32 $0x2, s5  }
0xc: {  	s28 =	sadd.s32 $0x800, s4;
	s5 =	sshll.u32 s5, $0x8;
	s9 =	sshrl.u32 s6, $0x1  }
0xd: {  	_ =	strace $0x80000047;
	s5 =	sor.u32 s5, s8;
	s9 =	ssub.s32 s6, s9  }
0xe: {  	s29 =	sshrl.u32 s5, $0x3;
	s30 =	sshll.u32 s5, $0x5;
	s10 =	sor.u32 $0x80, s5  }
0xf: {  	v2 =	vlaneseq.u32;
	s4 =	sadd.s32 s28, s29;
	s5 =	sadd.s32 s7, s30;
	s31 =	sshrl.u32 s10, $0x3  }
0x10: {  	vm0 =	vmmov $0xffff;
	v1 =	vshrl.u32 v2, $0x3;
	s10 =	sshll.u32 s10, $0x5;
	s8 =	smax.u32 s9, $0x1;
	s9 =	simm.s32 $0x2  }
0x11: {  	v0 =	vand.u32 $0x7, v2;
	v2 =	vor.u32 $0x8, v2;
	v1 =	vmul.u32 $0x8, v1;
	s6 =	sadd.s32 s28, s31;
	s7 =	sadd.s32 s7, s10;
	s10 =	simm.s32 $0x80  }
.LBB2_1:
0x12: {  	[tilespmem:s3], [sflag:$0x2] =	stream.linear.gather [hbm4b:s4+s3], $0x80, $0x38;
	[tilespmem:$0x8080] =	vst v63  }
0x13: {  	_ =	swait.ge [sflag:s9], $0x80  }
0x14: {  	[sflag:s9] =	ssyncset.done $0x0  }
0x15: {  	[sflag:s9] =	ssyncadd.s32 $0xFFFFFF80  }
0x16: {  	v3 =	vld [tilespmem:$0x0];
	_ =	sdelay $0x4  }
0x17: {  	v4 =	vshll.u32 v3, $0x1  }
0x18: {  	v3 =	vand.u32 $0x7, v3;
	v4 =	vand.u32 $0xFFFFFFF0, v4  }
0x19: {  	v3 =	vor.u32 v3, v4  }
0x1a: {  	v4 =	vperm.xlane v3, v0;
	_ =	sdelay $0x1  }
0x1b: {  	v3 =	vperm.xlane v3, v2;
	v4 =	vadd.s32 v1, v4;
	_ =	sdelay $0x1  }
0x1c: {  	v3 =	vadd.s32 v1, v3;
	_ =	sdelay $0x2  }
0x1d: {  	[tilespmem:s10], [sflag:$0x1] =	stream.indirect_vreg.gather [hbm4b:s1+s3], $0x80, v4, vm0, $0xb8;
	[tilespmem:$0x8080] =	vst v63  }
0x1e: {  	_ = 	snop  }
0x1f: {  	[tilespmem:s11], [sflag:$0x1] =	stream.indirect_vreg.gather [hbm4b:s1+s3], $0x80, v3, vm0, $0xb8;
	[tilespmem:$0x8080] =	vst v63  }
0x20: {  	v3 =	vld [tilespmem:$0x10];
	_ =	sdelay $0x4  }
0x21: {  	v49 =	vshll.u32 v3, $0x1  }
0x22: {  	v3 =	vand.u32 $0x7, v3;
	v4 =	vand.u32 $0xFFFFFFF0, v49  }
0x23: {  	v3 =	vor.u32 v3, v4  }
0x24: {  	v4 =	vperm.xlane v3, v0;
	_ =	sdelay $0x1  }
0x25: {  	v3 =	vperm.xlane v3, v2;
	v4 =	vadd.s32 v1, v4;
	_ =	sdelay $0x1  }
0x26: {  	v3 =	vadd.s32 v1, v3;
	_ =	sdelay $0x2  }
0x27: {  	[tilespmem:s12], [sflag:$0x1] =	stream.indirect_vreg.gather [hbm4b:s1+s3], $0x80, v4, vm0, $0xb8;
	[tilespmem:$0x8080] =	vst v63  }
0x28: {  	_ = 	snop  }
0x29: {  	[tilespmem:s13], [sflag:$0x1] =	stream.indirect_vreg.gather [hbm4b:s1+s3], $0x80, v3, vm0, $0xb8;
	[tilespmem:$0x8080] =	vst v63  }
0x2a: {  	v3 =	vld [tilespmem:$0x20];
	_ =	sdelay $0x4  }
0x2b: {  	v50 =	vshll.u32 v3, $0x1  }
0x2c: {  	v3 =	vand.u32 $0x7, v3;
	v4 =	vand.u32 $0xFFFFFFF0, v50  }
0x2d: {  	v3 =	vor.u32 v3, v4  }
0x2e: {  	v4 =	vperm.xlane v3, v0;
	_ =	sdelay $0x1  }
0x2f: {  	v3 =	vperm.xlane v3, v2;
	v4 =	vadd.s32 v1, v4;
	_ =	sdelay $0x1  }
0x30: {  	v3 =	vadd.s32 v1, v3;
	_ =	sdelay $0x2  }
0x31: {  	[tilespmem:s14], [sflag:$0x1] =	stream.indirect_vreg.gather [hbm4b:s1+s3], $0x80, v4, vm0, $0xb8;
	[tilespmem:$0x8080] =	vst v63  }
0x32: {  	_ = 	snop  }
0x33: {  	[tilespmem:s15], [sflag:$0x1] =	stream.indirect_vreg.gather [hbm4b:s1+s3], $0x80, v3, vm0, $0xb8;
	[tilespmem:$0x8080] =	vst v63  }
0x34: {  	v3 =	vld [tilespmem:$0x30];
	_ =	sdelay $0x4  }
0x35: {  	v51 =	vshll.u32 v3, $0x1  }
0x36: {  	v3 =	vand.u32 $0x7, v3;
	v4 =	vand.u32 $0xFFFFFFF0, v51  }
0x37: {  	v3 =	vor.u32 v3, v4  }
0x38: {  	v4 =	vperm.xlane v3, v0;
	_ =	sdelay $0x1  }
0x39: {  	v3 =	vperm.xlane v3, v2;
	v4 =	vadd.s32 v1, v4;
	_ =	sdelay $0x1  }
0x3a: {  	v3 =	vadd.s32 v1, v3;
	_ =	sdelay $0x2  }
0x3b: {  	[tilespmem:s16], [sflag:$0x1] =	stream.indirect_vreg.gather [hbm4b:s1+s3], $0x80, v4, vm0, $0xb8;
	[tilespmem:$0x8080] =	vst v63  }
0x3c: {  	_ = 	snop  }
0x3d: {  	[tilespmem:s17], [sflag:$0x1] =	stream.indirect_vreg.gather [hbm4b:s1+s3], $0x80, v3, vm0, $0xb8;
	[tilespmem:$0x8080] =	vst v63  }
0x3e: {  	v3 =	vld [tilespmem:$0x40];
	_ =	sdelay $0x4  }
0x3f: {  	v52 =	vshll.u32 v3, $0x1  }
0x40: {  	v3 =	vand.u32 $0x7, v3;
	v4 =	vand.u32 $0xFFFFFFF0, v52  }
0x41: {  	v3 =	vor.u32 v3, v4  }
0x42: {  	v4 =	vperm.xlane v3, v0;
	_ =	sdelay $0x1  }
0x43: {  	v3 =	vperm.xlane v3, v2;
	v4 =	vadd.s32 v1, v4;
	_ =	sdelay $0x1  }
0x44: {  	v3 =	vadd.s32 v1, v3;
	_ =	sdelay $0x2  }
0x45: {  	[tilespmem:s18], [sflag:$0x1] =	stream.indirect_vreg.gather [hbm4b:s1+s3], $0x80, v4, vm0, $0xb8;
	[tilespmem:$0x8080] =	vst v63  }
0x46: {  	_ = 	snop  }
0x47: {  	[tilespmem:s19], [sflag:$0x1] =	stream.indirect_vreg.gather [hbm4b:s1+s3], $0x80, v3, vm0, $0xb8;
	[tilespmem:$0x8080] =	vst v63  }
0x48: {  	v3 =	vld [tilespmem:$0x50];
	_ =	sdelay $0x4  }
0x49: {  	v53 =	vshll.u32 v3, $0x1  }
0x4a: {  	v3 =	vand.u32 $0x7, v3;
	v4 =	vand.u32 $0xFFFFFFF0, v53  }
0x4b: {  	v3 =	vor.u32 v3, v4  }
0x4c: {  	v4 =	vperm.xlane v3, v0;
	_ =	sdelay $0x1  }
0x4d: {  	v3 =	vperm.xlane v3, v2;
	v4 =	vadd.s32 v1, v4;
	_ =	sdelay $0x1  }
0x4e: {  	v3 =	vadd.s32 v1, v3;
	_ =	sdelay $0x2  }
0x4f: {  	[tilespmem:s20], [sflag:$0x1] =	stream.indirect_vreg.gather [hbm4b:s1+s3], $0x80, v4, vm0, $0xb8;
	[tilespmem:$0x8080] =	vst v63  }
0x50: {  	_ = 	snop  }
0x51: {  	[tilespmem:s21], [sflag:$0x1] =	stream.indirect_vreg.gather [hbm4b:s1+s3], $0x80, v3, vm0, $0xb8;
	[tilespmem:$0x8080] =	vst v63  }
0x52: {  	v3 =	vld [tilespmem:$0x60];
	_ =	sdelay $0x4  }
0x53: {  	v54 =	vshll.u32 v3, $0x1  }
0x54: {  	v3 =	vand.u32 $0x7, v3;
	v4 =	vand.u32 $0xFFFFFFF0, v54  }
0x55: {  	v3 =	vor.u32 v3, v4  }
0x56: {  	v4 =	vperm.xlane v3, v0;
	_ =	sdelay $0x1  }
0x57: {  	v3 =	vperm.xlane v3, v2;
	v4 =	vadd.s32 v1, v4;
	_ =	sdelay $0x1  }
0x58: {  	v3 =	vadd.s32 v1, v3;
	_ =	sdelay $0x2  }
0x59: {  	[tilespmem:s22], [sflag:$0x1] =	stream.indirect_vreg.gather [hbm4b:s1+s3], $0x80, v4, vm0, $0xb8;
	[tilespmem:$0x8080] =	vst v63  }
0x5a: {  	_ = 	snop  }
0x5b: {  	[tilespmem:s23], [sflag:$0x1] =	stream.indirect_vreg.gather [hbm4b:s1+s3], $0x80, v3, vm0, $0xb8;
	[tilespmem:$0x8080] =	vst v63  }
0x5c: {  	v3 =	vld [tilespmem:$0x70];
	_ =	sdelay $0x4  }
0x5d: {  	v55 =	vshll.u32 v3, $0x1  }
0x5e: {  	v3 =	vand.u32 $0x7, v3;
	v4 =	vand.u32 $0xFFFFFFF0, v55  }
0x5f: {  	v3 =	vor.u32 v3, v4  }
0x60: {  	v4 =	vperm.xlane v3, v0;
	_ =	sdelay $0x1  }
0x61: {  	v3 =	vperm.xlane v3, v2;
	v4 =	vadd.s32 v1, v4;
	_ =	sdelay $0x1  }
0x62: {  	v3 =	vadd.s32 v1, v3;
	_ =	sdelay $0x2  }
0x63: {  	[tilespmem:s24], [sflag:$0x1] =	stream.indirect_vreg.gather [hbm4b:s1+s3], $0x80, v4, vm0, $0xb8;
	[tilespmem:$0x8080] =	vst v63  }
0x64: {  	_ = 	snop  }
0x65: {  	[tilespmem:s25], [sflag:$0x1] =	stream.indirect_vreg.gather [hbm4b:s1+s3], $0x80, v3, vm0, $0xb8;
	[tilespmem:$0x8080] =	vst v63  }
0x66: {  	_ =	swait.ge [sflag:s26], $0x8000  }
0x67: {  	[sflag:s26] =	ssyncset.done $0x0  }
0x68: {  	[sflag:s26] =	ssyncadd.s32 $0xFFFF8000  }
0x69: {  	[hbm4b:s5+s3] =	stream.linear.scatter [tilespmem:s10], [sflag:$0x2], $0x8000, $0x38;
	[tilespmem:$0x8080] =	vst v63  }
0x6a: {  	_ =	swait.ge [sflag:s9], $0x8000  }
0x6b: {  	[sflag:s9] =	ssyncset.done $0x0  }
0x6c: {  	[sflag:s9] =	ssyncadd.s32 $0xFFFF8000  }
0x6d: {  	[tilespmem:s3], [sflag:$0x2] =	stream.linear.gather [hbm4b:s6+s3], $0x80, $0x38;
	[tilespmem:$0x8080] =	vst v63  }
0x6e: {  	_ =	swait.ge [sflag:s9], $0x80  }
0x6f: {  	[sflag:s9] =	ssyncset.done $0x0  }
0x70: {  	[sflag:s9] =	ssyncadd.s32 $0xFFFFFF80  }
0x71: {  	v3 =	vld [tilespmem:$0x0];
	_ =	sdelay $0x4  }
0x72: {  	v56 =	vshll.u32 v3, $0x1  }
0x73: {  	v3 =	vand.u32 $0x7, v3;
	v4 =	vand.u32 $0xFFFFFFF0, v56  }
0x74: {  	v3 =	vor.u32 v3, v4  }
0x75: {  	v4 =	vperm.xlane v3, v0;
	_ =	sdelay $0x1  }
0x76: {  	v3 =	vperm.xlane v3, v2;
	v4 =	vadd.s32 v1, v4;
	_ =	sdelay $0x1  }
0x77: {  	v3 =	vadd.s32 v1, v3;
	_ =	sdelay $0x2  }
0x78: {  	[tilespmem:s10], [sflag:$0x1] =	stream.indirect_vreg.gather [hbm4b:s1+s3], $0x80, v4, vm0, $0xb8;
	[tilespmem:$0x8080] =	vst v63  }
0x79: {  	_ = 	snop  }
0x7a: {  	[tilespmem:s11], [sflag:$0x1] =	stream.indirect_vreg.gather [hbm4b:s1+s3], $0x80, v3, vm0, $0xb8;
	[tilespmem:$0x8080] =	vst v63  }
0x7b: {  	v3 =	vld [tilespmem:$0x10];
	_ =	sdelay $0x4  }
0x7c: {  	v57 =	vshll.u32 v3, $0x1  }
0x7d: {  	v3 =	vand.u32 $0x7, v3;
	v4 =	vand.u32 $0xFFFFFFF0, v57  }
0x7e: {  	v3 =	vor.u32 v3, v4  }
0x7f: {  	v4 =	vperm.xlane v3, v0;
	_ =	sdelay $0x1  }
0x80: {  	v3 =	vperm.xlane v3, v2;
	v4 =	vadd.s32 v1, v4;
	_ =	sdelay $0x1  }
0x81: {  	v3 =	vadd.s32 v1, v3;
	_ =	sdelay $0x2  }
0x82: {  	[tilespmem:s12], [sflag:$0x1] =	stream.indirect_vreg.gather [hbm4b:s1+s3], $0x80, v4, vm0, $0xb8;
	[tilespmem:$0x8080] =	vst v63  }
0x83: {  	_ = 	snop  }
0x84: {  	[tilespmem:s13], [sflag:$0x1] =	stream.indirect_vreg.gather [hbm4b:s1+s3], $0x80, v3, vm0, $0xb8;
	[tilespmem:$0x8080] =	vst v63  }
0x85: {  	v3 =	vld [tilespmem:$0x20];
	_ =	sdelay $0x4  }
0x86: {  	v58 =	vshll.u32 v3, $0x1  }
0x87: {  	v3 =	vand.u32 $0x7, v3;
	v4 =	vand.u32 $0xFFFFFFF0, v58  }
0x88: {  	v3 =	vor.u32 v3, v4  }
0x89: {  	v4 =	vperm.xlane v3, v0;
	_ =	sdelay $0x1  }
0x8a: {  	v3 =	vperm.xlane v3, v2;
	v4 =	vadd.s32 v1, v4;
	_ =	sdelay $0x1  }
0x8b: {  	v3 =	vadd.s32 v1, v3;
	_ =	sdelay $0x2  }
0x8c: {  	[tilespmem:s14], [sflag:$0x1] =	stream.indirect_vreg.gather [hbm4b:s1+s3], $0x80, v4, vm0, $0xb8;
	[tilespmem:$0x8080] =	vst v63  }
0x8d: {  	_ = 	snop  }
0x8e: {  	[tilespmem:s15], [sflag:$0x1] =	stream.indirect_vreg.gather [hbm4b:s1+s3], $0x80, v3, vm0, $0xb8;
	[tilespmem:$0x8080] =	vst v63  }
0x8f: {  	v3 =	vld [tilespmem:$0x30];
	_ =	sdelay $0x4  }
0x90: {  	v59 =	vshll.u32 v3, $0x1  }
0x91: {  	v3 =	vand.u32 $0x7, v3;
	v4 =	vand.u32 $0xFFFFFFF0, v59  }
0x92: {  	v3 =	vor.u32 v3, v4  }
0x93: {  	v4 =	vperm.xlane v3, v0;
	_ =	sdelay $0x1  }
0x94: {  	v3 =	vperm.xlane v3, v2;
	v4 =	vadd.s32 v1, v4;
	_ =	sdelay $0x1  }
0x95: {  	v3 =	vadd.s32 v1, v3;
	_ =	sdelay $0x2  }
0x96: {  	[tilespmem:s16], [sflag:$0x1] =	stream.indirect_vreg.gather [hbm4b:s1+s3], $0x80, v4, vm0, $0xb8;
	[tilespmem:$0x8080] =	vst v63  }
0x97: {  	_ = 	snop  }
0x98: {  	[tilespmem:s17], [sflag:$0x1] =	stream.indirect_vreg.gather [hbm4b:s1+s3], $0x80, v3, vm0, $0xb8;
	[tilespmem:$0x8080] =	vst v63  }
0x99: {  	v3 =	vld [tilespmem:$0x40];
	_ =	sdelay $0x4  }
0x9a: {  	v60 =	vshll.u32 v3, $0x1  }
0x9b: {  	v3 =	vand.u32 $0x7, v3;
	v4 =	vand.u32 $0xFFFFFFF0, v60  }
0x9c: {  	v3 =	vor.u32 v3, v4  }
0x9d: {  	v4 =	vperm.xlane v3, v0;
	_ =	sdelay $0x1  }
0x9e: {  	v3 =	vperm.xlane v3, v2;
	v4 =	vadd.s32 v1, v4;
	_ =	sdelay $0x1  }
0x9f: {  	v3 =	vadd.s32 v1, v3;
	_ =	sdelay $0x2  }
0xa0: {  	[tilespmem:s18], [sflag:$0x1] =	stream.indirect_vreg.gather [hbm4b:s1+s3], $0x80, v4, vm0, $0xb8;
	[tilespmem:$0x8080] =	vst v63  }
0xa1: {  	_ = 	snop  }
0xa2: {  	[tilespmem:s19], [sflag:$0x1] =	stream.indirect_vreg.gather [hbm4b:s1+s3], $0x80, v3, vm0, $0xb8;
	[tilespmem:$0x8080] =	vst v63  }
0xa3: {  	v3 =	vld [tilespmem:$0x50];
	_ =	sdelay $0x4  }
0xa4: {  	v61 =	vshll.u32 v3, $0x1  }
0xa5: {  	v3 =	vand.u32 $0x7, v3;
	v4 =	vand.u32 $0xFFFFFFF0, v61  }
0xa6: {  	v3 =	vor.u32 v3, v4  }
0xa7: {  	v4 =	vperm.xlane v3, v0;
	_ =	sdelay $0x1  }
0xa8: {  	v3 =	vperm.xlane v3, v2;
	v4 =	vadd.s32 v1, v4;
	_ =	sdelay $0x1  }
0xa9: {  	v3 =	vadd.s32 v1, v3;
	_ =	sdelay $0x2  }
0xaa: {  	[tilespmem:s20], [sflag:$0x1] =	stream.indirect_vreg.gather [hbm4b:s1+s3], $0x80, v4, vm0, $0xb8;
	[tilespmem:$0x8080] =	vst v63  }
0xab: {  	_ = 	snop  }
0xac: {  	[tilespmem:s21], [sflag:$0x1] =	stream.indirect_vreg.gather [hbm4b:s1+s3], $0x80, v3, vm0, $0xb8;
	[tilespmem:$0x8080] =	vst v63  }
0xad: {  	v3 =	vld [tilespmem:$0x60];
	_ =	sdelay $0x4  }
0xae: {  	v62 =	vshll.u32 v3, $0x1  }
0xaf: {  	v3 =	vand.u32 $0x7, v3;
	v4 =	vand.u32 $0xFFFFFFF0, v62  }
0xb0: {  	v3 =	vor.u32 v3, v4  }
0xb1: {  	v4 =	vperm.xlane v3, v0;
	_ =	sdelay $0x1  }
0xb2: {  	v3 =	vperm.xlane v3, v2;
	v4 =	vadd.s32 v1, v4;
	_ =	sdelay $0x1  }
0xb3: {  	v3 =	vadd.s32 v1, v3;
	_ =	sdelay $0x2  }
0xb4: {  	[tilespmem:s22], [sflag:$0x1] =	stream.indirect_vreg.gather [hbm4b:s1+s3], $0x80, v4, vm0, $0xb8;
	[tilespmem:$0x8080] =	vst v63  }
0xb5: {  	_ = 	snop  }
0xb6: {  	[tilespmem:s23], [sflag:$0x1] =	stream.indirect_vreg.gather [hbm4b:s1+s3], $0x80, v3, vm0, $0xb8;
	[tilespmem:$0x8080] =	vst v63  }
0xb7: {  	v3 =	vld [tilespmem:$0x70];
	_ =	sdelay $0x4  }
0xb8: {  	v63 =	vshll.u32 v3, $0x1  }
0xb9: {  	v3 =	vand.u32 $0x7, v3;
	v4 =	vand.u32 $0xFFFFFFF0, v63  }
0xba: {  	v3 =	vor.u32 v3, v4  }
0xbb: {  	v4 =	vperm.xlane v3, v0;
	_ =	sdelay $0x1  }
0xbc: {  	v3 =	vperm.xlane v3, v2;
	v4 =	vadd.s32 v1, v4;
	_ =	sdelay $0x1  }
0xbd: {  	v3 =	vadd.s32 v1, v3;
	_ =	sdelay $0x2  }
0xbe: {  	[tilespmem:s24], [sflag:$0x1] =	stream.indirect_vreg.gather [hbm4b:s1+s3], $0x80, v4, vm0, $0xb8;
	[tilespmem:$0x8080] =	vst v63  }
0xbf: {  	_ = 	snop  }
0xc0: {  	[tilespmem:s25], [sflag:$0x1] =	stream.indirect_vreg.gather [hbm4b:s1+s3], $0x80, v3, vm0, $0xb8;
	[tilespmem:$0x8080] =	vst v63  }
0xc1: {  	_ =	swait.ge [sflag:s26], $0x8000  }
0xc2: {  	p0 =	sne.s32 s8, $0x1;
	[sflag:s26] =	ssyncset.done $0x0  }
.Ltmp0:
0xc3: {  	[sflag:s26] =	ssyncadd.s32 $0xFFFF8000;
	(pc) =	sbr.rel @p0 .LBB2_1-.Ltmp0, $4  }
0xc4: {  	[hbm4b:s7+s3] =	stream.linear.scatter [tilespmem:s10], [sflag:$0x2], $0x8000, $0x38;
	[tilespmem:$0x8080] =	vst v63  }
0xc5: {  	_ =	swait.ge [sflag:s9], $0x8000  }
0xc6: {  	[sflag:s9] =	ssyncset.done $0x0  }
0xc7: {  	s8 =	sadd.s32 $0xFFFFFFFF, s8;
	[sflag:s9] =	ssyncadd.s32 $0xFFFF8000  }
0xc8: {  	_ =	sfence.sel $0x180000  }
0xc9: {  	[bflag:$0x0] =	sbarrier.arrive $0xFFFF  }
0xca: {  	p0 =	sne.s32 s2, $0x0;
	_ =	strace $0x90000047  }
0xcb: {  	s0 =	sadd.s32 @!p0 $0x100000, s0;
	[bflag:$0x2] =	sbarrier.arrive $0xFFFF  }
0xcc: {  	[sflag:s0] =	ssyncadd.tile.s32 @!p0 $0x1;
	_ =	shalt  }
.Lfunc_end2:
_tile_overlayer_lowered:
.L_overlay_start_2:
0xcd: {  	(tag) =	ssettag $0x2  }
0xce: {  	s0 =	rddreg [dreg:$0x0];
	s2 =	stileid.u32  }
0xcf: {  	s1 =	rddreg [dreg:$0x1];
	p0 =	sne.s32 s2, $0x0  }
0xd0: {  	s3 =	rddreg [dreg:$0x2];
	[bflag:$0x3] =	sbarrier.arrive $0xFFFF;
	s2 =	simm.s32 @!p0 $0x1C02  }
0xd1: {  	[timem:s3], [sflag:s2] =	dma.local @!p0 [hbm:s0], s1  }
0xd2: {  	s0 =	simm.s32 @!p0 $0x2  }
0xd3: {  	_ =	swait.ge @!p0 [sflag:s0], s1  }
0xd4: {  	s1 =	ssub.s32 @!p0 $0x0, s1;
	[sflag:s0] =	ssyncset.done @!p0 $0x0  }
0xd5: {  	[sflag:s0] =	ssyncadd.s32 @!p0 s1  }
0xd6: {  	[bflag:$0x3] =	sbarrier.arrive $0xFFFF  }
0xd7: {  	_ =	shalt  }

</sc_bundles>
